<compile_context>
chip_gen: v7x
topology: tpu7x:2x2x1
jax: 0.10.2.dev20260603
libtpu: 0.0.44.dev20260713+nightly
codegen_flags: <defaults>
</compile_context>

<pallas_src>
import functools

import jax
import jax.numpy as jnp
from jax.experimental import pallas as pl
from jax.experimental.pallas import tpu as pltpu
from jax.experimental.pallas import tpu_sc as plsc

_TILE = 64


def _router_kernel(xf_ref, rw_ref, ei_ref, scale_ref):
    f32 = jnp.float32
    xf = xf_ref[...]
    rw = rw_ref[...]
    T = xf.shape[0]
    E = rw.shape[0]

    logits = jax.lax.dot_general(
        xf, rw, (((1,), (1,)), ((), ())), preferred_element_type=f32)
    lmax = jnp.max(logits, axis=1, keepdims=True)
    ex = jnp.exp(logits - lmax)
    p = ex / jnp.sum(ex, axis=1, keepdims=True)

    lane = jax.lax.broadcasted_iota(jnp.int32, (T, E), 1)
    m1 = jnp.max(p, axis=1, keepdims=True)
    i1 = jnp.min(jnp.where(p == m1, lane, E), axis=1, keepdims=True)
    o1 = (lane == i1)
    pm = jnp.where(o1, -jnp.inf, p)
    m2 = jnp.max(pm, axis=1, keepdims=True)
    i2 = jnp.min(jnp.where(pm == m2, lane, E), axis=1, keepdims=True)

    ssum = m1 + m2
    ei_ref[...] = jnp.concatenate([i1, i2], axis=1)
    scale_ref[...] = jnp.concatenate([m1 / ssum, m2 / ssum], axis=1)


def _sc_group_body(ei_hbm, dest_hbm, te_hbm, na_hbm,
                   eis, dests, cnts, offs, tes, nas, sem,
                   *, n_assign, n_experts, n_tiles):
    idx = jax.lax.axis_index("core")

    @pl.when(idx == 0)
    def _():
        pltpu.async_copy(ei_hbm, eis, sem).wait()

        @pl.loop(0, n_experts)
        def _(e):
            cnts[e] = 0

        @pl.loop(0, n_assign)
        def _(a):
            e = eis[a]
            dests[a] = cnts[e]
            cnts[e] = cnts[e] + 1

        offs[0] = 0

        @pl.loop(0, n_experts)
        def _(e):
            pc = ((cnts[e] + (_TILE - 1)) // _TILE) * _TILE
            offs[e + 1] = offs[e] + pc

        nas[0] = 0

        @pl.loop(0, n_experts)
        def _(e):
            @pl.when(cnts[e] > 0)
            def _():
                nas[0] = e

        @pl.loop(0, n_tiles)
        def _(t):
            tes[t] = nas[0]

        @pl.loop(0, n_assign)
        def _(a):
            e = eis[a]
            d = offs[e] + dests[a]
            dests[a] = d
            tes[d // _TILE] = e

        nas[0] = offs[n_experts] // _TILE

        pltpu.async_copy(dests, dest_hbm, sem).wait()
        pltpu.async_copy(tes, te_hbm, sem).wait()
        pltpu.async_copy(nas, na_hbm, sem).wait()


def _moe_kernel(te_ref, na_ref, xf_ref, w1_ref, w2_ref, w3_ref,
                dest_ref, scale_ref, out_ref):
    f32 = jnp.float32
    t = pl.program_id(0)
    T = xf_ref.shape[0]

    @pl.when(t == 0)
    def _():
        out_ref[...] = jnp.zeros_like(out_ref)

    @pl.when(t < na_ref[0])
    def _():
        d0 = dest_ref[:, 0:1]
        d1 = dest_ref[:, 1:2]
        s0 = scale_ref[:, 0:1]
        s1 = scale_ref[:, 1:2]
        rows = t * _TILE + jax.lax.broadcasted_iota(jnp.int32, (T, _TILE), 1)
        m0 = (rows == d0)
        m1 = (rows == d1)
        g = m0.astype(f32) + m1.astype(f32)
        gs = (m0.astype(f32) * s0 + m1.astype(f32) * s1)

        dotg = functools.partial(jax.lax.dot_general,
                                 preferred_element_type=f32)
        xg = dotg(g, xf_ref[...], (((0,), (0,)), ((), ())))
        w1 = w1_ref[0]
        w3 = w3_ref[0]
        w2 = w2_ref[0]
        h1 = dotg(xg, w1, (((1,), (1,)), ((), ())))
        h3 = dotg(xg, w3, (((1,), (1,)), ((), ())))
        h = jax.nn.silu(h1) * h3
        y = dotg(h, w2, (((1,), (1,)), ((), ())))
        out_ref[...] += dotg(gs, y, (((1,), (0,)), ((), ())))


def kernel(x, router_w, w1, w2, w3):
    orig_shape = x.shape
    H = x.shape[-1]
    xf = x.reshape(-1, H)
    T = xf.shape[0]
    E = router_w.shape[0]
    EXP = w1.shape[1]
    n_tiles = (2 * T) // _TILE + E
    n_assign = 2 * T

    ei, scale = pl.pallas_call(
        _router_kernel,
        out_shape=(
            jax.ShapeDtypeStruct((T, 2), jnp.int32),
            jax.ShapeDtypeStruct((T, 2), jnp.float32),
        ),
    )(xf, router_w)

    sc_mesh = plsc.ScalarSubcoreMesh(axis_name="core", num_cores=2)
    sc_group = pl.kernel(
        functools.partial(_sc_group_body, n_assign=n_assign,
                          n_experts=E, n_tiles=n_tiles),
        out_type=(
            jax.ShapeDtypeStruct((n_assign,), jnp.int32),
            jax.ShapeDtypeStruct((n_tiles,), jnp.int32),
            jax.ShapeDtypeStruct((1,), jnp.int32),
        ),
        mesh=sc_mesh,
        scratch_types=[
            pltpu.SMEM((n_assign,), jnp.int32),
            pltpu.SMEM((n_assign,), jnp.int32),
            pltpu.SMEM((E,), jnp.int32),
            pltpu.SMEM((E + 1,), jnp.int32),
            pltpu.SMEM((n_tiles,), jnp.int32),
            pltpu.SMEM((1,), jnp.int32),
            pltpu.SemaphoreType.DMA,
        ],
    )
    dest_flat, te, na = sc_group(ei.reshape(n_assign))
    dest = dest_flat.reshape(T, 2)

    grid_spec = pltpu.PrefetchScalarGridSpec(
        num_scalar_prefetch=2,
        grid=(n_tiles,),
        in_specs=[
            pl.BlockSpec((T, H), lambda i, te, na: (0, 0)),
            pl.BlockSpec((1, EXP, H), lambda i, te, na: (te[i], 0, 0)),
            pl.BlockSpec((1, H, EXP), lambda i, te, na: (te[i], 0, 0)),
            pl.BlockSpec((1, EXP, H), lambda i, te, na: (te[i], 0, 0)),
            pl.BlockSpec((T, 2), lambda i, te, na: (0, 0)),
            pl.BlockSpec((T, 2), lambda i, te, na: (0, 0)),
        ],
        out_specs=pl.BlockSpec((T, H), lambda i, te, na: (0, 0)),
    )
    out = pl.pallas_call(
        _moe_kernel,
        grid_spec=grid_spec,
        out_shape=jax.ShapeDtypeStruct((T, H), jnp.float32),
        compiler_params=pltpu.CompilerParams(
            dimension_semantics=("arbitrary",)),
    )(te, na, xf, w1, w2, w3, dest, scale)

    return out.reshape(orig_shape)

# --- scband reference (transcript-rebuilt; emitter-appended) ---
"""Pipeline reference for scband-moefeed-forward-aoquantizable-61426622267820 (READ-ONLY COPY).

The authoritative reference and input builder live on the scoring server;
editing this copy changes nothing except your own understanding.
"""

import jax, jax.numpy as jnp
import numpy as np

E = 64
TOP_K = 2
HID = 1024
EXP = 1024


def setup_inputs(seed: int = 0) -> dict:
    key = jax.random.key(seed)
    k1, k2, k3, k4, k5 = jax.random.split(key, 5)
    x = jax.random.normal(k1, (128, 4, HID), dtype=jnp.float32)
    router_w = jax.random.normal(k2, (E, HID), dtype=jnp.float32) * 0.02
    w1 = jax.random.normal(k3, (E, EXP, HID), dtype=jnp.float32) * 0.02
    w2 = jax.random.normal(k4, (E, HID, EXP), dtype=jnp.float32) * 0.02
    w3 = jax.random.normal(k5, (E, EXP, HID), dtype=jnp.float32) * 0.02
    return {"x": x, "router_w": router_w, "w1": w1, "w2": w2, "w3": w3}


def reference(x, router_w, w1, w2, w3):
    B = x.shape[0]
    xf = x.reshape(-1, HID)
    # router: softmax -> top_k -> renormalize
    logits = xf @ router_w.T
    probs = jax.nn.softmax(logits, axis=-1)
    scores, expert_indices = jax.lax.top_k(probs, TOP_K)
    scores = scores / jnp.sum(scores, axis=-1, keepdims=True)

    def body(e, final):
        y1 = jax.nn.silu(xf @ w1[e].T)
        y3 = xf @ w3[e].T
        y = (y1 * y3) @ w2[e].T
        w_act = jnp.sum(
            jnp.where(expert_indices == e, scores, jnp.zeros_like(scores)),
            axis=-1,
            keepdims=True,
        )
        return final + y * w_act

    final = jax.lax.fori_loop(0, E, body, jnp.zeros_like(xf))
    return final.reshape(B, -1, HID)

if __name__ == "__main__":
    import jax
    _d = setup_inputs()
    print(jax.jit(kernel)(*tuple(_d.values())))

</pallas_src>

<mosaic_0001>
#map = affine_map<(d0) -> (0)>
module attributes {stable_mosaic.version = 14 : i64} {
  func.func @_sc_group_body(%arg0: i32, %arg1: memref<1024xi32, #tpu.memory_space<hbm>>, %arg2: memref<1024xi32, #tpu.memory_space<hbm>>, %arg3: memref<80xi32, #tpu.memory_space<hbm>>, %arg4: memref<1xi32, #tpu.memory_space<hbm>>, %arg5: memref<1024xi32, #tpu.memory_space<smem>>, %arg6: memref<1024xi32, #tpu.memory_space<smem>>, %arg7: memref<64xi32, #tpu.memory_space<smem>>, %arg8: memref<65xi32, #tpu.memory_space<smem>>, %arg9: memref<80xi32, #tpu.memory_space<smem>>, %arg10: memref<1xi32, #tpu.memory_space<smem>>, %arg11: memref<!tpu.dma_semaphore, #tpu.memory_space<semaphore_mem>>) attributes {dimension_semantics = [#tpu.dimension_semantics<core_parallel>], iteration_bounds = array<i64: 2>, scalar_prefetch = 0 : i64, scratch_operands = 7 : i64, tpu.core_type = #tpu.core_type<sc_scalar_subcore>, window_params = [{transform_indices = #map}, {transform_indices = #map}, {transform_indices = #map}, {transform_indices = #map}]} {
    %eq3A = arith.constant 0 : i32
    %eq3A_0 = arith.cmpi eq, %arg0, %eq3A : i32
    %convert_element_type3A = arith.extui %eq3A_0 : i1 to i32
    %cond3A = arith.constant 0 : i32
    %cond3A_1 = arith.cmpi ne, %convert_element_type3A, %cond3A : i32
    scf.if %cond3A_1 {
      tpu.enqueue_dma source(%arg1 : memref<1024xi32, #tpu.memory_space<hbm>>) target(%arg5 : memref<1024xi32, #tpu.memory_space<smem>>) target_semaphore(%arg11 : memref<!tpu.dma_semaphore, #tpu.memory_space<semaphore_mem>>)
      tpu.wait_dma2 semaphore(%arg11 : memref<!tpu.dma_semaphore, #tpu.memory_space<semaphore_mem>>) src(%arg1 : memref<1024xi32, #tpu.memory_space<hbm>>) dst(%arg5 : memref<1024xi32, #tpu.memory_space<smem>>)
      %scan3A = arith.constant 0 : i32
      %scan3A_2 = arith.constant 64 : i32
      %scan3A_3 = arith.addi %scan3A, %scan3A_2 : i32
      %scan3A_4 = arith.constant 1 : i32
      scf.for %scan3A_59 = %scan3A to %scan3A_3 step %scan3A_4  : i32 {
        %mul3A = arith.constant 1 : i32
        %mul3A_60 = arith.muli %scan3A_59, %mul3A : i32
        %add3A = arith.constant 0 : i32
        %add3A_61 = arith.addi %add3A, %mul3A_60 : i32
        %swap3A_62 = arith.constant 0 : i32
        %swap3A_63 = arith.index_cast %add3A_61 : i32 to index
        %swap3A_64 = memref.load %arg7[%swap3A_63] : memref<64xi32, #tpu.memory_space<smem>>
        memref.store %swap3A_62, %arg7[%swap3A_63] : memref<64xi32, #tpu.memory_space<smem>>
      }
      %scan3A_5 = arith.constant 64 : i32
      %scan3A_6 = arith.constant 0 : i32
      %scan3A_7 = arith.constant 1024 : i32
      %scan3A_8 = arith.addi %scan3A_6, %scan3A_7 : i32
      %scan3A_9 = arith.constant 1 : i32
      scf.for %scan3A_59 = %scan3A_6 to %scan3A_8 step %scan3A_9  : i32 {
        %mul3A = arith.constant 1 : i32
        %mul3A_60 = arith.muli %scan3A_59, %mul3A : i32
        %add3A = arith.constant 0 : i32
        %add3A_61 = arith.addi %add3A, %mul3A_60 : i32
        %get3A_62 = arith.index_cast %add3A_61 : i32 to index
        %get3A_63 = memref.load %arg5[%get3A_62] : memref<1024xi32, #tpu.memory_space<smem>>
        %get3A_64 = arith.index_cast %get3A_63 : i32 to index
        %get3A_65 = memref.load %arg7[%get3A_64] : memref<64xi32, #tpu.memory_space<smem>>
        %swap3A_66 = arith.index_cast %add3A_61 : i32 to index
        %swap3A_67 = memref.load %arg6[%swap3A_66] : memref<1024xi32, #tpu.memory_space<smem>>
        memref.store %get3A_65, %arg6[%swap3A_66] : memref<1024xi32, #tpu.memory_space<smem>>
        %get3A_68 = arith.index_cast %get3A_63 : i32 to index
        %get3A_69 = memref.load %arg7[%get3A_68] : memref<64xi32, #tpu.memory_space<smem>>
        %add3A_70 = arith.constant 1 : i32
        %add3A_71 = arith.addi %get3A_69, %add3A_70 : i32
        %swap3A_72 = arith.index_cast %get3A_63 : i32 to index
        %swap3A_73 = memref.load %arg7[%swap3A_72] : memref<64xi32, #tpu.memory_space<smem>>
        memref.store %add3A_71, %arg7[%swap3A_72] : memref<64xi32, #tpu.memory_space<smem>>
      }
      %scan3A_10 = arith.constant 1024 : i32
      %swap3A = arith.constant 0 : i32
      %swap3A_11 = arith.constant 0 : i32
      %swap3A_12 = arith.index_cast %swap3A_11 : i32 to index
      %swap3A_13 = memref.load %arg8[%swap3A_12] : memref<65xi32, #tpu.memory_space<smem>>
      memref.store %swap3A, %arg8[%swap3A_12] : memref<65xi32, #tpu.memory_space<smem>>
      %scan3A_14 = arith.constant 0 : i32
      %scan3A_15 = arith.constant 64 : i32
      %scan3A_16 = arith.addi %scan3A_14, %scan3A_15 : i32
      %scan3A_17 = arith.constant 1 : i32
      scf.for %scan3A_59 = %scan3A_14 to %scan3A_16 step %scan3A_17  : i32 {
        %mul3A = arith.constant 1 : i32
        %mul3A_60 = arith.muli %scan3A_59, %mul3A : i32
        %add3A = arith.constant 0 : i32
        %add3A_61 = arith.addi %add3A, %mul3A_60 : i32
        %get3A_62 = arith.index_cast %add3A_61 : i32 to index
        %get3A_63 = memref.load %arg7[%get3A_62] : memref<64xi32, #tpu.memory_space<smem>>
        %add3A_64 = arith.constant 63 : i32
        %add3A_65 = arith.addi %get3A_63, %add3A_64 : i32
        %jit3A_66 = arith.constant 64 : i32
        %div3A_67 = arith.divsi %add3A_65, %jit3A_66 : i32
        %sign3A_68 = arith.constant 0 : i32
        %sign3A_69 = arith.cmpi sgt, %add3A_65, %sign3A_68 : i32
        %sign3A_70 = arith.extui %sign3A_69 : i1 to i32
        %sign3A_71 = arith.constant 0 : i32
        %sign3A_72 = arith.cmpi slt, %add3A_65, %sign3A_71 : i32
        %sign3A_73 = arith.extui %sign3A_72 : i1 to i32
        %sign3A_74 = arith.subi %sign3A_70, %sign3A_73 : i32
        %sign3A_75 = arith.constant 0 : i32
        %sign3A_76 = arith.cmpi sgt, %jit3A_66, %sign3A_75 : i32
        %sign3A_77 = arith.extui %sign3A_76 : i1 to i32
        %sign3A_78 = arith.constant 0 : i32
        %sign3A_79 = arith.cmpi slt, %jit3A_66, %sign3A_78 : i32
        %sign3A_80 = arith.extui %sign3A_79 : i1 to i32
        %sign3A_81 = arith.subi %sign3A_77, %sign3A_80 : i32
        %ne3A_82 = arith.cmpi ne, %sign3A_74, %sign3A_81 : i32
        %rem3A_83 = arith.remsi %add3A_65, %jit3A_66 : i32
        %ne3A_84 = arith.constant 0 : i32
        %ne3A_85 = arith.cmpi ne, %rem3A_83, %ne3A_84 : i32
        %and3A_86 = arith.andi %ne3A_82, %ne3A_85 : i1
        %sub3A_87 = arith.constant 1 : i32
        %sub3A_88 = arith.subi %div3A_67, %sub3A_87 : i32
        %select_n3A_89 = arith.select %and3A_86, %sub3A_88, %div3A_67 : i32
        %mul3A_90 = arith.constant 64 : i32
        %mul3A_91 = arith.muli %select_n3A_89, %mul3A_90 : i32
        %get3A_92 = arith.index_cast %add3A_61 : i32 to index
        %get3A_93 = memref.load %arg8[%get3A_92] : memref<65xi32, #tpu.memory_space<smem>>
        %add3A_94 = arith.addi %get3A_93, %mul3A_91 : i32
        %add3A_95 = arith.constant 1 : i32
        %add3A_96 = arith.addi %add3A_61, %add3A_95 : i32
        %swap3A_97 = arith.index_cast %add3A_96 : i32 to index
        %swap3A_98 = memref.load %arg8[%swap3A_97] : memref<65xi32, #tpu.memory_space<smem>>
        memref.store %add3A_94, %arg8[%swap3A_97] : memref<65xi32, #tpu.memory_space<smem>>
      }
      %scan3A_18 = arith.constant 64 : i32
      %swap3A_19 = arith.constant 0 : i32
      %swap3A_20 = arith.constant 0 : i32
      %swap3A_21 = arith.index_cast %swap3A_20 : i32 to index
      %swap3A_22 = memref.load %arg10[%swap3A_21] : memref<1xi32, #tpu.memory_space<smem>>
      memref.store %swap3A_19, %arg10[%swap3A_21] : memref<1xi32, #tpu.memory_space<smem>>
      %scan3A_23 = arith.constant 0 : i32
      %scan3A_24 = arith.constant 64 : i32
      %scan3A_25 = arith.addi %scan3A_23, %scan3A_24 : i32
      %scan3A_26 = arith.constant 1 : i32
      scf.for %scan3A_59 = %scan3A_23 to %scan3A_25 step %scan3A_26  : i32 {
        %mul3A = arith.constant 1 : i32
        %mul3A_60 = arith.muli %scan3A_59, %mul3A : i32
        %add3A = arith.constant 0 : i32
        %add3A_61 = arith.addi %add3A, %mul3A_60 : i32
        %get3A_62 = arith.index_cast %add3A_61 : i32 to index
        %get3A_63 = memref.load %arg7[%get3A_62] : memref<64xi32, #tpu.memory_space<smem>>
        %gt3A = arith.constant 0 : i32
        %gt3A_64 = arith.cmpi sgt, %get3A_63, %gt3A : i32
        %convert_element_type3A_65 = arith.extui %gt3A_64 : i1 to i32
        %cond3A_66 = arith.constant 0 : i32
        %cond3A_67 = arith.cmpi ne, %convert_element_type3A_65, %cond3A_66 : i32
        scf.if %cond3A_67 {
          %swap3A_68 = arith.constant 0 : i32
          %swap3A_69 = arith.index_cast %swap3A_68 : i32 to index
          %swap3A_70 = memref.load %arg10[%swap3A_69] : memref<1xi32, #tpu.memory_space<smem>>
          memref.store %add3A_61, %arg10[%swap3A_69] : memref<1xi32, #tpu.memory_space<smem>>
        } else {
        }
      }
      %scan3A_27 = arith.constant 64 : i32
      %scan3A_28 = arith.constant 0 : i32
      %scan3A_29 = arith.constant 80 : i32
      %scan3A_30 = arith.addi %scan3A_28, %scan3A_29 : i32
      %scan3A_31 = arith.constant 1 : i32
      scf.for %scan3A_59 = %scan3A_28 to %scan3A_30 step %scan3A_31  : i32 {
        %mul3A = arith.constant 1 : i32
        %mul3A_60 = arith.muli %scan3A_59, %mul3A : i32
        %add3A = arith.constant 0 : i32
        %add3A_61 = arith.addi %add3A, %mul3A_60 : i32
        %get3A_62 = arith.constant 0 : i32
        %get3A_63 = arith.index_cast %get3A_62 : i32 to index
        %get3A_64 = memref.load %arg10[%get3A_63] : memref<1xi32, #tpu.memory_space<smem>>
        %swap3A_65 = arith.index_cast %add3A_61 : i32 to index
        %swap3A_66 = memref.load %arg9[%swap3A_65] : memref<80xi32, #tpu.memory_space<smem>>
        memref.store %get3A_64, %arg9[%swap3A_65] : memref<80xi32, #tpu.memory_space<smem>>
      }
      %scan3A_32 = arith.constant 80 : i32
      %scan3A_33 = arith.constant 0 : i32
      %scan3A_34 = arith.constant 1024 : i32
      %scan3A_35 = arith.addi %scan3A_33, %scan3A_34 : i32
      %scan3A_36 = arith.constant 1 : i32
      scf.for %scan3A_59 = %scan3A_33 to %scan3A_35 step %scan3A_36  : i32 {
        %mul3A = arith.constant 1 : i32
        %mul3A_60 = arith.muli %scan3A_59, %mul3A : i32
        %add3A = arith.constant 0 : i32
        %add3A_61 = arith.addi %add3A, %mul3A_60 : i32
        %get3A_62 = arith.index_cast %add3A_61 : i32 to index
        %get3A_63 = memref.load %arg5[%get3A_62] : memref<1024xi32, #tpu.memory_space<smem>>
        %get3A_64 = arith.index_cast %get3A_63 : i32 to index
        %get3A_65 = memref.load %arg8[%get3A_64] : memref<65xi32, #tpu.memory_space<smem>>
        %get3A_66 = arith.index_cast %add3A_61 : i32 to index
        %get3A_67 = memref.load %arg6[%get3A_66] : memref<1024xi32, #tpu.memory_space<smem>>
        %add3A_68 = arith.addi %get3A_65, %get3A_67 : i32
        %swap3A_69 = arith.index_cast %add3A_61 : i32 to index
        %swap3A_70 = memref.load %arg6[%swap3A_69] : memref<1024xi32, #tpu.memory_space<smem>>
        memref.store %add3A_68, %arg6[%swap3A_69] : memref<1024xi32, #tpu.memory_space<smem>>
        %jit3A_71 = arith.constant 64 : i32
        %div3A_72 = arith.divsi %add3A_68, %jit3A_71 : i32
        %sign3A_73 = arith.constant 0 : i32
        %sign3A_74 = arith.cmpi sgt, %add3A_68, %sign3A_73 : i32
        %sign3A_75 = arith.extui %sign3A_74 : i1 to i32
        %sign3A_76 = arith.constant 0 : i32
        %sign3A_77 = arith.cmpi slt, %add3A_68, %sign3A_76 : i32
        %sign3A_78 = arith.extui %sign3A_77 : i1 to i32
        %sign3A_79 = arith.subi %sign3A_75, %sign3A_78 : i32
        %sign3A_80 = arith.constant 0 : i32
        %sign3A_81 = arith.cmpi sgt, %jit3A_71, %sign3A_80 : i32
        %sign3A_82 = arith.extui %sign3A_81 : i1 to i32
        %sign3A_83 = arith.constant 0 : i32
        %sign3A_84 = arith.cmpi slt, %jit3A_71, %sign3A_83 : i32
        %sign3A_85 = arith.extui %sign3A_84 : i1 to i32
        %sign3A_86 = arith.subi %sign3A_82, %sign3A_85 : i32
        %ne3A_87 = arith.cmpi ne, %sign3A_79, %sign3A_86 : i32
        %rem3A_88 = arith.remsi %add3A_68, %jit3A_71 : i32
        %ne3A_89 = arith.constant 0 : i32
        %ne3A_90 = arith.cmpi ne, %rem3A_88, %ne3A_89 : i32
        %and3A_91 = arith.andi %ne3A_87, %ne3A_90 : i1
        %sub3A_92 = arith.constant 1 : i32
        %sub3A_93 = arith.subi %div3A_72, %sub3A_92 : i32
        %select_n3A_94 = arith.select %and3A_91, %sub3A_93, %div3A_72 : i32
        %swap3A_95 = arith.index_cast %select_n3A_94 : i32 to index
        %swap3A_96 = memref.load %arg9[%swap3A_95] : memref<80xi32, #tpu.memory_space<smem>>
        memref.store %get3A_63, %arg9[%swap3A_95] : memref<80xi32, #tpu.memory_space<smem>>
      }
      %scan3A_37 = arith.constant 1024 : i32
      %get3A = arith.constant 64 : i32
      %get3A_38 = arith.index_cast %get3A : i32 to index
      %get3A_39 = memref.load %arg8[%get3A_38] : memref<65xi32, #tpu.memory_space<smem>>
      %jit3A = arith.constant 64 : i32
      %div3A = arith.divsi %get3A_39, %jit3A : i32
      %sign3A = arith.constant 0 : i32
      %sign3A_40 = arith.cmpi sgt, %get3A_39, %sign3A : i32
      %sign3A_41 = arith.extui %sign3A_40 : i1 to i32
      %sign3A_42 = arith.constant 0 : i32
      %sign3A_43 = arith.cmpi slt, %get3A_39, %sign3A_42 : i32
      %sign3A_44 = arith.extui %sign3A_43 : i1 to i32
      %sign3A_45 = arith.subi %sign3A_41, %sign3A_44 : i32
      %sign3A_46 = arith.constant 0 : i32
      %sign3A_47 = arith.cmpi sgt, %jit3A, %sign3A_46 : i32
      %sign3A_48 = arith.extui %sign3A_47 : i1 to i32
      %sign3A_49 = arith.constant 0 : i32
      %sign3A_50 = arith.cmpi slt, %jit3A, %sign3A_49 : i32
      %sign3A_51 = arith.extui %sign3A_50 : i1 to i32
      %sign3A_52 = arith.subi %sign3A_48, %sign3A_51 : i32
      %ne3A = arith.cmpi ne, %sign3A_45, %sign3A_52 : i32
      %rem3A = arith.remsi %get3A_39, %jit3A : i32
      %ne3A_53 = arith.constant 0 : i32
      %ne3A_54 = arith.cmpi ne, %rem3A, %ne3A_53 : i32
      %and3A = arith.andi %ne3A, %ne3A_54 : i1
      %sub3A = arith.constant 1 : i32
      %sub3A_55 = arith.subi %div3A, %sub3A : i32
      %select_n3A = arith.select %and3A, %sub3A_55, %div3A : i32
      %swap3A_56 = arith.constant 0 : i32
      %swap3A_57 = arith.index_cast %swap3A_56 : i32 to index
      %swap3A_58 = memref.load %arg10[%swap3A_57] : memref<1xi32, #tpu.memory_space<smem>>
      memref.store %select_n3A, %arg10[%swap3A_57] : memref<1xi32, #tpu.memory_space<smem>>
      tpu.enqueue_dma source(%arg6 : memref<1024xi32, #tpu.memory_space<smem>>) target(%arg2 : memref<1024xi32, #tpu.memory_space<hbm>>) target_semaphore(%arg11 : memref<!tpu.dma_semaphore, #tpu.memory_space<semaphore_mem>>)
      tpu.wait_dma2 semaphore(%arg11 : memref<!tpu.dma_semaphore, #tpu.memory_space<semaphore_mem>>) src(%arg6 : memref<1024xi32, #tpu.memory_space<smem>>) dst(%arg2 : memref<1024xi32, #tpu.memory_space<hbm>>)
      tpu.enqueue_dma source(%arg9 : memref<80xi32, #tpu.memory_space<smem>>) target(%arg3 : memref<80xi32, #tpu.memory_space<hbm>>) target_semaphore(%arg11 : memref<!tpu.dma_semaphore, #tpu.memory_space<semaphore_mem>>)
      tpu.wait_dma2 semaphore(%arg11 : memref<!tpu.dma_semaphore, #tpu.memory_space<semaphore_mem>>) src(%arg9 : memref<80xi32, #tpu.memory_space<smem>>) dst(%arg3 : memref<80xi32, #tpu.memory_space<hbm>>)
      tpu.enqueue_dma source(%arg10 : memref<1xi32, #tpu.memory_space<smem>>) target(%arg4 : memref<1xi32, #tpu.memory_space<hbm>>) target_semaphore(%arg11 : memref<!tpu.dma_semaphore, #tpu.memory_space<semaphore_mem>>)
      tpu.wait_dma2 semaphore(%arg11 : memref<!tpu.dma_semaphore, #tpu.memory_space<semaphore_mem>>) src(%arg10 : memref<1xi32, #tpu.memory_space<smem>>) dst(%arg4 : memref<1xi32, #tpu.memory_space<hbm>>)
    } else {
    }
    return
  }
}

module attributes {stable_mosaic.version = 14 : i64} {
  func.func @_router_kernel(%arg0: memref<512x1024xf32, #tpu.memory_space<vmem>>, %arg1: memref<64x1024xf32, #tpu.memory_space<vmem>>, %arg2: memref<512x2xi32, #tpu.memory_space<vmem>>, %arg3: memref<512x2xf32, #tpu.memory_space<vmem>>) attributes {dimension_semantics = [], scalar_prefetch = 0 : i64, scratch_operands = 0 : i64, tpu.core_type = #tpu.core_type<tc>} {
    %get3A = arith.constant 0 : index
    %get3A_0 = arith.constant 0 : index
    %get3A_1 = vector.load %arg0[%get3A, %get3A_0] : memref<512x1024xf32, #tpu.memory_space<vmem>>, vector<512x1024xf32>
    %get3A_2 = arith.constant 0 : index
    %get3A_3 = arith.constant 0 : index
    %get3A_4 = vector.load %arg1[%get3A_2, %get3A_3] : memref<64x1024xf32, #tpu.memory_space<vmem>>, vector<64x1024xf32>
    %dot_general3A = arith.constant dense<0.000000e+00> : vector<512x64xf32>
    %dot_general3A_5 = tpu.matmul %get3A_1, %get3A_4, %dot_general3A {dimension_numbers = #tpu.dot_dimension_numbers<[1], [1], [0], [0], [0, 0, 1, 0], [], []>, transpose_lhs_hint = false} : vector<512x1024xf32>, vector<64x1024xf32>, vector<512x64xf32> -> vector<512x64xf32>
    %reduce_max3A = arith.constant dense<0xFF800000> : vector<512xf32>
    %reduce_max3A_6 = vector.multi_reduction <maximumf>, %dot_general3A_5, %reduce_max3A [1] : vector<512x64xf32> to vector<512xf32>
    %broadcast_in_dim3A = vector.shape_cast %reduce_max3A_6 : vector<512xf32> to vector<512x1xf32>
    %sub3A = vector.broadcast %broadcast_in_dim3A : vector<512x1xf32> to vector<512x64xf32>
    %sub3A_7 = arith.subf %dot_general3A_5, %sub3A : vector<512x64xf32>
    %exp3A = math.exp %sub3A_7 : vector<512x64xf32>
    %reduce_sum3A = arith.constant dense<0.000000e+00> : vector<512xf32>
    %reduce_sum3A_8 = vector.multi_reduction <add>, %exp3A, %reduce_sum3A [1] : vector<512x64xf32> to vector<512xf32>
    %broadcast_in_dim3A_9 = vector.shape_cast %reduce_sum3A_8 : vector<512xf32> to vector<512x1xf32>
    %div3A = vector.broadcast %broadcast_in_dim3A_9 : vector<512x1xf32> to vector<512x64xf32>
    %div3A_10 = arith.divf %exp3A, %div3A : vector<512x64xf32>
    %iota3A = tpu.iota {dimensions = array<i32: 1>} : vector<512x64xi32>
    %reduce_max3A_11 = arith.constant dense<0xFF800000> : vector<512xf32>
    %reduce_max3A_12 = vector.multi_reduction <maximumf>, %div3A_10, %reduce_max3A_11 [1] : vector<512x64xf32> to vector<512xf32>
    %broadcast_in_dim3A_13 = vector.shape_cast %reduce_max3A_12 : vector<512xf32> to vector<512x1xf32>
    %eq3A = vector.broadcast %broadcast_in_dim3A_13 : vector<512x1xf32> to vector<512x64xf32>
    %eq3A_14 = arith.cmpf oeq, %div3A_10, %eq3A : vector<512x64xf32>
    %jit3A = arith.constant 64 : i32
    %broadcast_in_dim3A_15 = vector.broadcast %jit3A : i32 to vector<512x64xi32>
    %select_n3A = arith.select %eq3A_14, %iota3A, %broadcast_in_dim3A_15 : vector<512x64xi1>, vector<512x64xi32>
    %reduce_min3A = arith.constant dense<2147483647> : vector<512xi32>
    %reduce_min3A_16 = vector.multi_reduction <minsi>, %select_n3A, %reduce_min3A [1] : vector<512x64xi32> to vector<512xi32>
    %broadcast_in_dim3A_17 = vector.shape_cast %reduce_min3A_16 : vector<512xi32> to vector<512x1xi32>
    %eq3A_18 = vector.broadcast %broadcast_in_dim3A_17 : vector<512x1xi32> to vector<512x64xi32>
    %eq3A_19 = arith.cmpi eq, %iota3A, %eq3A_18 : vector<512x64xi32>
    %jit3A_20 = arith.constant 0xFF800000 : f32
    %broadcast_in_dim3A_21 = vector.broadcast %jit3A_20 : f32 to vector<512x64xf32>
    %select_n3A_22 = arith.select %eq3A_19, %broadcast_in_dim3A_21, %div3A_10 : vector<512x64xi1>, vector<512x64xf32>
    %reduce_max3A_23 = arith.constant dense<0xFF800000> : vector<512xf32>
    %reduce_max3A_24 = vector.multi_reduction <maximumf>, %select_n3A_22, %reduce_max3A_23 [1] : vector<512x64xf32> to vector<512xf32>
    %broadcast_in_dim3A_25 = vector.shape_cast %reduce_max3A_24 : vector<512xf32> to vector<512x1xf32>
    %eq3A_26 = vector.broadcast %broadcast_in_dim3A_25 : vector<512x1xf32> to vector<512x64xf32>
    %eq3A_27 = arith.cmpf oeq, %select_n3A_22, %eq3A_26 : vector<512x64xf32>
    %jit3A_28 = arith.constant 64 : i32
    %broadcast_in_dim3A_29 = vector.broadcast %jit3A_28 : i32 to vector<512x64xi32>
    %select_n3A_30 = arith.select %eq3A_27, %iota3A, %broadcast_in_dim3A_29 : vector<512x64xi1>, vector<512x64xi32>
    %reduce_min3A_31 = arith.constant dense<2147483647> : vector<512xi32>
    %reduce_min3A_32 = vector.multi_reduction <minsi>, %select_n3A_30, %reduce_min3A_31 [1] : vector<512x64xi32> to vector<512xi32>
    %broadcast_in_dim3A_33 = vector.shape_cast %reduce_min3A_32 : vector<512xi32> to vector<512x1xi32>
    %add3A = arith.addf %broadcast_in_dim3A_13, %broadcast_in_dim3A_25 : vector<512x1xf32>
    %concatenate3A = tpu.concatenate %broadcast_in_dim3A_17, %broadcast_in_dim3A_33 in 1 : vector<512x1xi32>, vector<512x1xi32> -> vector<512x2xi32>
    %swap3A = arith.constant 0 : index
    %swap3A_34 = arith.constant 0 : index
    %swap3A_35 = vector.load %arg2[%swap3A, %swap3A_34] : memref<512x2xi32, #tpu.memory_space<vmem>>, vector<512x2xi32>
    tpu.vector_store %arg2[%swap3A, %swap3A_34], %concatenate3A {strides = array<i32>} : memref<512x2xi32, #tpu.memory_space<vmem>>, vector<512x2xi32>,
    %div3A_36 = arith.divf %broadcast_in_dim3A_13, %add3A : vector<512x1xf32>
    %div3A_37 = arith.divf %broadcast_in_dim3A_25, %add3A : vector<512x1xf32>
    %concatenate3A_38 = tpu.concatenate %div3A_36, %div3A_37 in 1 : vector<512x1xf32>, vector<512x1xf32> -> vector<512x2xf32>
    %swap3A_39 = arith.constant 0 : index
    %swap3A_40 = arith.constant 0 : index
    %swap3A_41 = vector.load %arg3[%swap3A_39, %swap3A_40] : memref<512x2xf32, #tpu.memory_space<vmem>>, vector<512x2xf32>
    tpu.vector_store %arg3[%swap3A_39, %swap3A_40], %concatenate3A_38 {strides = array<i32>} : memref<512x2xf32, #tpu.memory_space<vmem>>, vector<512x2xf32>,
    return
  }
}

module attributes {stable_mosaic.version = 14 : i64} {
  func.func @_moe_kernel(%arg0: i32, %arg1: memref<80xi32, #tpu.memory_space<smem>>, %arg2: memref<1xi32, #tpu.memory_space<smem>>, %arg3: memref<512x1024xf32, #tpu.memory_space<vmem>>, %arg4: memref<1x1024x1024xf32, #tpu.memory_space<vmem>>, %arg5: memref<1x1024x1024xf32, #tpu.memory_space<vmem>>, %arg6: memref<1x1024x1024xf32, #tpu.memory_space<vmem>>, %arg7: memref<512x2xi32, #tpu.memory_space<vmem>>, %arg8: memref<512x2xf32, #tpu.memory_space<vmem>>, %arg9: memref<512x1024xf32, #tpu.memory_space<vmem>>) attributes {dimension_semantics = [#tpu.dimension_semantics<arbitrary>], iteration_bounds = array<i64: 80>, scalar_prefetch = 2 : i64, scratch_operands = 0 : i64, tpu.core_type = #tpu.core_type<tc>, window_params = [{pipeline_mode = #tpu.pipeline_mode<synchronous>, transform_indices = @transform_0, window_bounds = array<i64: 512, 1024>}, {transform_indices = @transform_1, window_bounds = array<i64: 1, 1024, 1024>}, {transform_indices = @transform_2, window_bounds = array<i64: 1, 1024, 1024>}, {transform_indices = @transform_3, window_bounds = array<i64: 1, 1024, 1024>}, {pipeline_mode = #tpu.pipeline_mode<synchronous>, transform_indices = @transform_4, window_bounds = array<i64: 512, 2>}, {pipeline_mode = #tpu.pipeline_mode<synchronous>, transform_indices = @transform_5, window_bounds = array<i64: 512, 2>}, {pipeline_mode = #tpu.pipeline_mode<synchronous>, transform_indices = @transform_6, window_bounds = array<i64: 512, 1024>}]} {
    %eq3A = arith.constant 0 : i32
    %eq3A_0 = arith.cmpi eq, %arg0, %eq3A : i32
    %convert_element_type3A = arith.extui %eq3A_0 : i1 to i32
    %cond3A = arith.constant 0 : i32
    %cond3A_1 = arith.cmpi ne, %convert_element_type3A, %cond3A : i32
    scf.if %cond3A_1 {
      %broadcast_in_dim3A = arith.constant 0.000000e+00 : f32
      %broadcast_in_dim3A_6 = vector.broadcast %broadcast_in_dim3A : f32 to vector<512x1024xf32>
      %swap3A = arith.constant 0 : index
      %swap3A_7 = arith.constant 0 : index
      %swap3A_8 = vector.load %arg9[%swap3A, %swap3A_7] : memref<512x1024xf32, #tpu.memory_space<vmem>>, vector<512x1024xf32>
      tpu.vector_store %arg9[%swap3A, %swap3A_7], %broadcast_in_dim3A_6 {strides = array<i32>} : memref<512x1024xf32, #tpu.memory_space<vmem>>, vector<512x1024xf32>,
    } else {
    }
    %get3A = arith.constant 0 : index
    %get3A_2 = memref.load %arg2[%get3A] : memref<1xi32, #tpu.memory_space<smem>>
    %lt3A = arith.cmpi slt, %arg0, %get3A_2 : i32
    %convert_element_type3A_3 = arith.extui %lt3A : i1 to i32
    %cond3A_4 = arith.constant 0 : i32
    %cond3A_5 = arith.cmpi ne, %convert_element_type3A_3, %cond3A_4 : i32
    scf.if %cond3A_5 {
      %get3A_6 = arith.constant 0 : index
      %get3A_7 = arith.constant 0 : index
      %get3A_8 = vector.load %arg7[%get3A_6, %get3A_7] : memref<512x2xi32, #tpu.memory_space<vmem>>, vector<512x1xi32>
      %get3A_9 = arith.constant 0 : index
      %get3A_10 = arith.constant 1 : index
      %get3A_11 = vector.load %arg7[%get3A_9, %get3A_10] : memref<512x2xi32, #tpu.memory_space<vmem>>, vector<512x1xi32>
      %get3A_12 = arith.constant 0 : index
      %get3A_13 = arith.constant 0 : index
      %get3A_14 = vector.load %arg8[%get3A_12, %get3A_13] : memref<512x2xf32, #tpu.memory_space<vmem>>, vector<512x1xf32>
      %get3A_15 = arith.constant 0 : index
      %get3A_16 = arith.constant 1 : index
      %get3A_17 = vector.load %arg8[%get3A_15, %get3A_16] : memref<512x2xf32, #tpu.memory_space<vmem>>, vector<512x1xf32>
      %mul3A = arith.constant 64 : i32
      %mul3A_18 = arith.muli %arg0, %mul3A : i32
      %iota3A = tpu.iota {dimensions = array<i32: 1>} : vector<512x64xi32>
      %add3A = vector.broadcast %mul3A_18 : i32 to vector<512x64xi32>
      %add3A_19 = arith.addi %add3A, %iota3A : vector<512x64xi32>
      %eq3A_20 = vector.broadcast %get3A_8 : vector<512x1xi32> to vector<512x64xi32>
      %eq3A_21 = arith.cmpi eq, %add3A_19, %eq3A_20 : vector<512x64xi32>
      %eq3A_22 = vector.broadcast %get3A_11 : vector<512x1xi32> to vector<512x64xi32>
      %eq3A_23 = arith.cmpi eq, %add3A_19, %eq3A_22 : vector<512x64xi32>
      %convert_element_type3A_24 = arith.extui %eq3A_21 : vector<512x64xi1> to vector<512x64xi32>
      %convert_element_type3A_25 = arith.sitofp %convert_element_type3A_24 : vector<512x64xi32> to vector<512x64xf32>
      %convert_element_type3A_26 = arith.extui %eq3A_23 : vector<512x64xi1> to vector<512x64xi32>
      %convert_element_type3A_27 = arith.sitofp %convert_element_type3A_26 : vector<512x64xi32> to vector<512x64xf32>
      %add3A_28 = arith.addf %convert_element_type3A_25, %convert_element_type3A_27 : vector<512x64xf32>
      %convert_element_type3A_29 = arith.extui %eq3A_21 : vector<512x64xi1> to vector<512x64xi32>
      %convert_element_type3A_30 = arith.sitofp %convert_element_type3A_29 : vector<512x64xi32> to vector<512x64xf32>
      %mul3A_31 = vector.broadcast %get3A_14 : vector<512x1xf32> to vector<512x64xf32>
      %mul3A_32 = arith.mulf %convert_element_type3A_30, %mul3A_31 : vector<512x64xf32>
      %convert_element_type3A_33 = arith.extui %eq3A_23 : vector<512x64xi1> to vector<512x64xi32>
      %convert_element_type3A_34 = arith.sitofp %convert_element_type3A_33 : vector<512x64xi32> to vector<512x64xf32>
      %mul3A_35 = vector.broadcast %get3A_17 : vector<512x1xf32> to vector<512x64xf32>
      %mul3A_36 = arith.mulf %convert_element_type3A_34, %mul3A_35 : vector<512x64xf32>
      %add3A_37 = arith.addf %mul3A_32, %mul3A_36 : vector<512x64xf32>
      %get3A_38 = arith.constant 0 : index
      %get3A_39 = arith.constant 0 : index
      %get3A_40 = vector.load %arg3[%get3A_38, %get3A_39] : memref<512x1024xf32, #tpu.memory_space<vmem>>, vector<512x1024xf32>
      %dot_general3A = arith.constant dense<0.000000e+00> : vector<64x1024xf32>
      %dot_general3A_41 = tpu.matmul %add3A_28, %get3A_40, %dot_general3A {dimension_numbers = #tpu.dot_dimension_numbers<[0], [0], [1], [1], [0, 1, 1, 1], [], []>, transpose_lhs_hint = false} : vector<512x64xf32>, vector<512x1024xf32>, vector<64x1024xf32> -> vector<64x1024xf32>
      %get3A_42 = arith.constant 0 : index
      %get3A_43 = arith.constant 0 : index
      %get3A_44 = arith.constant 0 : index
      %get3A_45 = vector.load %arg4[%get3A_42, %get3A_43, %get3A_44] : memref<1x1024x1024xf32, #tpu.memory_space<vmem>>, vector<1x1024x1024xf32>
      %get3A_46 = vector.shape_cast %get3A_45 : vector<1x1024x1024xf32> to vector<1024x1024xf32>
      %get3A_47 = arith.constant 0 : index
      %get3A_48 = arith.constant 0 : index
      %get3A_49 = arith.constant 0 : index
      %get3A_50 = vector.load %arg6[%get3A_47, %get3A_48, %get3A_49] : memref<1x1024x1024xf32, #tpu.memory_space<vmem>>, vector<1x1024x1024xf32>
      %get3A_51 = vector.shape_cast %get3A_50 : vector<1x1024x1024xf32> to vector<1024x1024xf32>
      %get3A_52 = arith.constant 0 : index
      %get3A_53 = arith.constant 0 : index
      %get3A_54 = arith.constant 0 : index
      %get3A_55 = vector.load %arg5[%get3A_52, %get3A_53, %get3A_54] : memref<1x1024x1024xf32, #tpu.memory_space<vmem>>, vector<1x1024x1024xf32>
      %get3A_56 = vector.shape_cast %get3A_55 : vector<1x1024x1024xf32> to vector<1024x1024xf32>
      %dot_general3A_57 = arith.constant dense<0.000000e+00> : vector<64x1024xf32>
      %dot_general3A_58 = tpu.matmul %dot_general3A_41, %get3A_46, %dot_general3A_57 {dimension_numbers = #tpu.dot_dimension_numbers<[1], [1], [0], [0], [0, 0, 1, 0], [], []>, transpose_lhs_hint = false} : vector<64x1024xf32>, vector<1024x1024xf32>, vector<64x1024xf32> -> vector<64x1024xf32>
      %dot_general3A_59 = arith.constant dense<0.000000e+00> : vector<64x1024xf32>
      %dot_general3A_60 = tpu.matmul %dot_general3A_41, %get3A_51, %dot_general3A_59 {dimension_numbers = #tpu.dot_dimension_numbers<[1], [1], [0], [0], [0, 0, 1, 0], [], []>, transpose_lhs_hint = false} : vector<64x1024xf32>, vector<1024x1024xf32>, vector<64x1024xf32> -> vector<64x1024xf32>
      %logistic3A = arith.negf %dot_general3A_58 : vector<64x1024xf32>
      %logistic3A_61 = math.exp %logistic3A : vector<64x1024xf32>
      %logistic3A_62 = arith.constant 1.000000e+00 : f32
      %logistic3A_63 = vector.broadcast %logistic3A_62 : f32 to vector<64x1024xf32>
      %logistic3A_64 = arith.addf %logistic3A_63, %logistic3A_61 : vector<64x1024xf32>
      %logistic3A_65 = arith.divf %logistic3A_63, %logistic3A_64 : vector<64x1024xf32>
      %mul3A_66 = arith.mulf %dot_general3A_58, %logistic3A_65 : vector<64x1024xf32>
      %mul3A_67 = arith.mulf %mul3A_66, %dot_general3A_60 : vector<64x1024xf32>
      %dot_general3A_68 = arith.constant dense<0.000000e+00> : vector<64x1024xf32>
      %dot_general3A_69 = tpu.matmul %mul3A_67, %get3A_56, %dot_general3A_68 {dimension_numbers = #tpu.dot_dimension_numbers<[1], [1], [0], [0], [0, 0, 1, 0], [], []>, transpose_lhs_hint = false} : vector<64x1024xf32>, vector<1024x1024xf32>, vector<64x1024xf32> -> vector<64x1024xf32>
      %get3A_70 = arith.constant 0 : index
      %get3A_71 = arith.constant 0 : index
      %get3A_72 = vector.load %arg9[%get3A_70, %get3A_71] : memref<512x1024xf32, #tpu.memory_space<vmem>>, vector<512x1024xf32>
      %dot_general3A_73 = arith.constant dense<0.000000e+00> : vector<512x1024xf32>
      %dot_general3A_74 = tpu.matmul %add3A_37, %dot_general3A_69, %dot_general3A_73 {dimension_numbers = #tpu.dot_dimension_numbers<[1], [0], [0], [1], [0, 0, 1, 1], [], []>, transpose_lhs_hint = false} : vector<512x64xf32>, vector<64x1024xf32>, vector<512x1024xf32> -> vector<512x1024xf32>
      %add3A_75 = arith.addf %get3A_72, %dot_general3A_74 : vector<512x1024xf32>
      %swap3A = arith.constant 0 : index
      %swap3A_76 = arith.constant 0 : index
      %swap3A_77 = vector.load %arg9[%swap3A, %swap3A_76] : memref<512x1024xf32, #tpu.memory_space<vmem>>, vector<512x1024xf32>
      tpu.vector_store %arg9[%swap3A, %swap3A_76], %add3A_75 {strides = array<i32>} : memref<512x1024xf32, #tpu.memory_space<vmem>>, vector<512x1024xf32>,
    } else {
    }
    return
  }
  func.func @transform_0(%arg0: i32, %arg1: memref<80xi32, #tpu.memory_space<smem>>, %arg2: memref<1xi32, #tpu.memory_space<smem>>) -> (i32, i32) {
    %c0_i32 = arith.constant 0 : i32
    %c0_i32_0 = arith.constant 0 : i32
    %c0_i32_1 = arith.constant 0 : i32
    return %c0_i32, %c0_i32_0 : i32, i32
  }
  func.func @transform_1(%arg0: i32, %arg1: memref<80xi32, #tpu.memory_space<smem>>, %arg2: memref<1xi32, #tpu.memory_space<smem>>) -> (i32, i32, i32) {
    %get3A = arith.index_cast %arg0 : i32 to index
    %get3A_0 = memref.load %arg1[%get3A] : memref<80xi32, #tpu.memory_space<smem>>
    %c0_i32 = arith.constant 0 : i32
    %c0_i32_1 = arith.constant 0 : i32
    %c0_i32_2 = arith.constant 0 : i32
    return %get3A_0, %c0_i32, %c0_i32_1 : i32, i32, i32
  }
  func.func @transform_2(%arg0: i32, %arg1: memref<80xi32, #tpu.memory_space<smem>>, %arg2: memref<1xi32, #tpu.memory_space<smem>>) -> (i32, i32, i32) {
    %get3A = arith.index_cast %arg0 : i32 to index
    %get3A_0 = memref.load %arg1[%get3A] : memref<80xi32, #tpu.memory_space<smem>>
    %c0_i32 = arith.constant 0 : i32
    %c0_i32_1 = arith.constant 0 : i32
    %c0_i32_2 = arith.constant 0 : i32
    return %get3A_0, %c0_i32, %c0_i32_1 : i32, i32, i32
  }
  func.func @transform_3(%arg0: i32, %arg1: memref<80xi32, #tpu.memory_space<smem>>, %arg2: memref<1xi32, #tpu.memory_space<smem>>) -> (i32, i32, i32) {
    %get3A = arith.index_cast %arg0 : i32 to index
    %get3A_0 = memref.load %arg1[%get3A] : memref<80xi32, #tpu.memory_space<smem>>
    %c0_i32 = arith.constant 0 : i32
    %c0_i32_1 = arith.constant 0 : i32
    %c0_i32_2 = arith.constant 0 : i32
    return %get3A_0, %c0_i32, %c0_i32_1 : i32, i32, i32
  }
  func.func @transform_4(%arg0: i32, %arg1: memref<80xi32, #tpu.memory_space<smem>>, %arg2: memref<1xi32, #tpu.memory_space<smem>>) -> (i32, i32) {
    %c0_i32 = arith.constant 0 : i32
    %c0_i32_0 = arith.constant 0 : i32
    %c0_i32_1 = arith.constant 0 : i32
    return %c0_i32, %c0_i32_0 : i32, i32
  }
  func.func @transform_5(%arg0: i32, %arg1: memref<80xi32, #tpu.memory_space<smem>>, %arg2: memref<1xi32, #tpu.memory_space<smem>>) -> (i32, i32) {
    %c0_i32 = arith.constant 0 : i32
    %c0_i32_0 = arith.constant 0 : i32
    %c0_i32_1 = arith.constant 0 : i32
    return %c0_i32, %c0_i32_0 : i32, i32
  }
  func.func @transform_6(%arg0: i32, %arg1: memref<80xi32, #tpu.memory_space<smem>>, %arg2: memref<1xi32, #tpu.memory_space<smem>>) -> (i32, i32) {
    %c0_i32 = arith.constant 0 : i32
    %c0_i32_0 = arith.constant 0 : i32
    %c0_i32_1 = arith.constant 0 : i32
    return %c0_i32, %c0_i32_0 : i32, i32
  }
}

</mosaic_0001>

<sc_bundles>
// kernel: kernel.5.cloned.1.call-start
scs
__scs_entry_jumppad:
0x0: {  	(pc) =	sbr.rel $0x88, $3  }
0x1: {  	(tag) =	ssettag $0x0;
	lr =	simm.s32 $0x1  }
0x2: {  	[smem:$0x3F9C] =	sst lr;
	_ =	strace $0xD0000000  }
0x3: {  	_ = 	snop  }
0x4: {  	_ = 	snop  }
0x5: {  	_ = 	snop  }
0x6: {  	_ = 	snop  }
0x7: {  	_ = 	snop  }
__scs_overlays_trampoline_lowered:
0x8: {  	[smem:$0x3FAB] =	sst s0  }
0x9: {  	[smem:$0x3FAC] =	sst s1  }
0xa: {  	[smem:$0x3FAD] =	sst s2  }
0xb: {  	[smem:$0x3FAE] =	sst s3  }
0xc: {  	[smem:$0x3FAF] =	sst s4  }
0xd: {  	[smem:$0x3FB0] =	sst s5  }
0xe: {  	[smem:$0x3FB1] =	sst s6  }
0xf: {  	[smem:$0x3FB2] =	sst s7  }
0x10: {  	[smem:$0x3FB3] =	sst s8  }
0x11: {  	[smem:$0x3FB4] =	sst s9;
	s0 =	simm.s32 @!p0 $0x0  }
0x12: {  	s1 =	sld [smem:$0x3F9A];
	s0 =	simm.s32 @p0 $0x1  }
0x13: {  	[smem:$0x3FB5] =	sst s0;
	s0 =	simm.s32 @!p1 $0x0  }
0x14: {  	s2 =	sld [smem:$0x3F99];
	s0 =	simm.s32 @p1 $0x1  }
0x15: {  	[smem:$0x3FB6] =	sst s0;
	s0 =	simm.s32 @!p2 $0x0  }
0x16: {  	s3 =	sld [smem:$0x3FDB];
	s0 =	simm.s32 @p2 $0x1  }
0x17: {  	s4 =	simm.s32 $0x1BF5;
	[smem:$0x3FB8] =	sst s0  }
0x18: {  	s0 =	sld [smem:$0x3F9B];
	_ =	swait.ge [sflag:s4], $0x0  }
0x19: {  	s7 =	sld [smem:$0x3F9C]  }
0x1a: {  	s8 =	sadd.s32 $0xFFFFE003, lr  }
0x1b: {  	s9 =	sadd.s32 $0xFFFFFEF7, lr;
	s5 =	simm.s32 $0xFFFFFFFF;
	p2 =	slt.u32 s8, $0xFFFFF086  }
0x1c: {  	p1 =	slt.u32 s9, $0xF7A;
	s5 =	simm.s32 @!p2 $0x0  }
0x1d: {  	s5 =	simm.s32 @p1 $0x1;
	p0 =	seq.s32 s7, s2  }
0x1e: {  	s7 =	smul.u32 @!p0 $0xF7A, s2;
	p2 =	seq.s32 @!p0 s5, $0x0  }
0x1f: {  	s9 =	smul.u32 $0xF7A, s1;
	s8 =	simm.s32 @!p0 $0x1BF5;
	p2 =	por !p2, p0  }
0x20: {  	[sflag:s8] =	ssyncset.s32 @!p0 $0xFFFFF086;
	s6 =	sadd.s32 @!p0 s3, s7;
	s7 =	simm.s32 @!p0 $0x108  }
0x21: {  	s3 =	sadd.s32 s3, s9;
	s6 =	sadd.s32 @!p0 $0x88, s6;
	s7 =	simm.s32 @p2 $0x1082  }
0x22: {  	[simem:s7], [sflag:s8] =	dma.local @!p0 [hbm:s6], $0xF7A  }
0x23: {  	s9 =	sor.u32 $0xD0000000, s2;
	s6 =	simm.s32 $0x108;
	_ =	swait.ge @!p0 [sflag:s8], $0x0  }
0x24: {  	s3 =	sadd.s32 $0x88, s3;
	s6 =	simm.s32 @!p1 $0x1082;
	[sflag:s4] =	ssyncset.s32 $0xFFFFF086  }
0x25: {  	[simem:s6], [sflag:s4] =	dma.local [hbm:s3], $0xF7A  }
0x26: {  	[smem:$0x3F9C] =	sst s1;
	(tag) =	ssettag s2;
	_ =	strace s9  }
0x27: {  	s1 =	sld [smem:$0x3FAC]  }
0x28: {  	s2 =	sld [smem:$0x3FAD]  }
0x29: {  	s4 =	sld [smem:$0x3FAF]  }
0x2a: {  	p0 =	seq.s32 s5, $0x0;
	s5 =	sld [smem:$0x3FB0]  }
0x2b: {  	s6 =	sld [smem:$0x3FB1]  }
0x2c: {  	s7 =	sld [smem:$0x3FB2]  }
0x2d: {  	s3 =	simm.s32 $0x108;
	s8 =	sld [smem:$0x3FB3]  }
0x2e: {  	s3 =	simm.s32 @!p0 $0x1082;
	s9 =	sld [smem:$0x3FB4]  }
0x2f: {  	lr =	sadd.s32 s0, s3;
	s0 =	sld [smem:$0x3FAB]  }
0x30: {  	s3 =	sld [smem:$0x3FAE]  }
0x31: {  	[smem:$0x3FB7] =	sst s10  }
0x32: {  	s10 =	sld [smem:$0x3FB5];
	_ =	sdelay $0x3  }
0x33: {  	p0 =	seq.s32 s10, $0x1;
	s10 =	sld [smem:$0x3FB7];
	_ =	sdelay $0x3  }
0x34: {  	[smem:$0x3FB7] =	sst s10  }
0x35: {  	s10 =	sld [smem:$0x3FB6];
	_ =	sdelay $0x3  }
0x36: {  	p1 =	seq.s32 s10, $0x1;
	s10 =	sld [smem:$0x3FB7];
	_ =	sdelay $0x3  }
0x37: {  	[smem:$0x3FB7] =	sst s10  }
0x38: {  	s10 =	sld [smem:$0x3FB8]  }
0x39: {  	_ = 	snop;
	(pc) =	sbr.ind lr, $3  }
0x3a: {  	_ = 	snop  }
0x3b: {  	_ = 	snop  }
0x3c: {  	p2 =	seq.s32 s10, $0x1;
	s10 =	sld [smem:$0x3FB7]  }
0x3d: {  	_ =	shalt  }
0x3e: {  	_ =	shalt  }
0x3f: {  	_ =	shalt  }
0x40: {  	_ =	shalt  }
0x41: {  	_ =	shalt  }
0x42: {  	_ =	shalt  }
0x43: {  	_ =	shalt  }
0x44: {  	_ =	shalt  }
0x45: {  	_ =	shalt  }
0x46: {  	_ =	shalt  }
0x47: {  	_ =	shalt  }
0x48: {  	_ =	shalt  }
0x49: {  	_ =	shalt  }
0x4a: {  	_ =	shalt  }
0x4b: {  	_ =	shalt  }
0x4c: {  	_ =	shalt  }
0x4d: {  	_ =	shalt  }
0x4e: {  	_ =	shalt  }
0x4f: {  	_ =	shalt  }
0x50: {  	_ =	shalt  }
0x51: {  	_ =	shalt  }
0x52: {  	_ =	shalt  }
0x53: {  	_ =	shalt  }
0x54: {  	_ =	shalt  }
0x55: {  	_ =	shalt  }
0x56: {  	_ =	shalt  }
0x57: {  	_ =	shalt  }
0x58: {  	_ =	shalt  }
0x59: {  	_ =	shalt  }
0x5a: {  	_ =	shalt  }
0x5b: {  	_ =	shalt  }
0x5c: {  	_ =	shalt  }
0x5d: {  	_ =	shalt  }
0x5e: {  	_ =	shalt  }
0x5f: {  	_ =	shalt  }
0x60: {  	_ =	shalt  }
0x61: {  	_ =	shalt  }
0x62: {  	_ =	shalt  }
0x63: {  	_ =	shalt  }
0x64: {  	_ =	shalt  }
0x65: {  	_ =	shalt  }
0x66: {  	_ =	shalt  }
0x67: {  	_ =	shalt  }
0x68: {  	_ =	shalt  }
0x69: {  	_ =	shalt  }
0x6a: {  	_ =	shalt  }
0x6b: {  	_ =	shalt  }
0x6c: {  	_ =	shalt  }
0x6d: {  	_ =	shalt  }
0x6e: {  	_ =	shalt  }
0x6f: {  	_ =	shalt  }
0x70: {  	_ =	shalt  }
0x71: {  	_ =	shalt  }
0x72: {  	_ =	shalt  }
0x73: {  	_ =	shalt  }
0x74: {  	_ =	shalt  }
0x75: {  	_ =	shalt  }
0x76: {  	_ =	shalt  }
0x77: {  	_ =	shalt  }
0x78: {  	_ =	shalt  }
0x79: {  	_ =	shalt  }
0x7a: {  	_ =	shalt  }
0x7b: {  	_ =	shalt  }
0x7c: {  	_ =	shalt  }
0x7d: {  	_ =	shalt  }
0x7e: {  	_ =	shalt  }
0x7f: {  	_ =	shalt  }
0x80: {  	_ =	shalt  }
0x81: {  	_ =	shalt  }
0x82: {  	_ =	shalt  }
0x83: {  	_ =	shalt  }
0x84: {  	_ =	shalt  }
0x85: {  	_ =	shalt  }
0x86: {  	_ =	shalt  }
0x87: {  	_ =	shalt  }
.Lfunc_end0:
.L_simem_size_0:
called_computation_lowered:
.L_overlay_start_0:
0x88: {  	s2 =	sld [smem:$0x3FD9]  }
0x89: {  	s3 =	sld [smem:$0x3FFE];
	_ =	sdelay $0x1  }
0x8a: {  	s1 =	srdreg.scid  }
0x8b: {  	s0 =	sand.u32 $0x1, s1  }
0x8c: {  	s28 =	sshll.u32 s0, $0xA;
	s2 =	sadd.s32 s3, s2  }
0x8d: {  	s2 =	sadd.s32 s2, s28  }
0x8e: {  	[smem:$0x3FC3] =	sst s2  }
0x8f: {  	_ = 	snop  }
0x90: {  	s3 =	sld [smem:$0x3FD0];
	(tm) =	ssettm $0x1  }
0x91: {  	s29 =	sld [smem:$0x3FFB];
	_ =	sdelay $0x3  }
0x92: {  	_ =	strace s29  }
0x93: {  	s2 =	sld [smem:$0x3FFC];
	_ =	sdelay $0x3  }
0x94: {  	_ =	strace s2  }
0x95: {  	s2 =	sld [smem:$0x3FFD];
	_ =	sdelay $0x3  }
0x96: {  	_ =	strace s2  }
0x97: {  	s30 =	simm.s32 $0x1B8B;
	_ =	strace $0x8FFFFFFF  }
0x98: {  	p0 =	seq.s32 s0, $0x1;
	_ =	swait.ge [sflag:s30], $0x1  }
.Ltmp0:
0x99: {  	[sflag:s30] =	ssyncset.done $0x0;
	(pc) =	sbr.rel @p0 .LBB1_14-.Ltmp0, $3  }
0x9a: {  	s31 =	simm.s32 $0x1B8E;
	[sflag:s30] =	ssyncadd.s32 $0xFFFFFFFF  }
0x9b: {  	[smem:$0x3FD2] =	sst s31  }
0x9c: {  	s6 =	sld [smem:$0x3FFE];
	_ =	strace $0x80000046  }
0x9d: {  	s2 =	simm.s32 $0x9;
	s4 =	simm.s32 $0x10  }
0x9e: {  	[smem:s4], [sflag:s2] =	dma.local [hbm:s3], $0x80  }
0x9f: {  	s7 =	simm.s32 $0x0;
	_ =	swait.ge [sflag:s2], $0x80  }
0xa0: {  	s5 =	sadd.s32 $0xE00, s6;
	s4 =	sadd.s32 $0x1000, s6;
	[sflag:s2] =	ssyncset.done $0x0  }
0xa1: {  	s3 =	sadd.s32 $0x1200, s6;
	s6 =	simm.s32 $0x0;
	[sflag:s2] =	ssyncadd.s32 $0xFFFFFF80  }
.LBB1_2:
0xa2: {  	p0 =	sne.s32 s7, $0xFC  }
.Ltmp1:
0xa3: {  	_ = 	snop;
	(pc) =	sbr.rel @p0 .LBB1_2-.Ltmp1, $3  }
0xa4: {  	_ = 	snop  }
0xa5: {  	s8 =	sshra.s32 s7, $0x2  }
0xa6: {  	s7 =	sadd.s32 $0x4, s7;
	[smem:s8+$0x810] =	sst s6  }
0xa7: {  	s6 =	simm.s32 $0x0;
	s7 =	simm.s32 $0x4  }
.LBB1_4:
0xa8: {  	p0 =	sne.s32 s7, $0xFFC;
	s8 =	sld [smem:s6+$0x10];
	_ =	sdelay $0x3  }
0xa9: {  	s9 =	sld [smem:s8+$0x810];
	_ =	sdelay $0x1  }
.Ltmp2:
0xaa: {  	(pc) =	sbr.rel @p0 .LBB1_4-.Ltmp2, $3  }
0xab: {  	_ = 	snop  }
0xac: {  	[smem:s6+$0x410] =	sst s9;
	s9 =	sadd.s32 $0x1, s9  }
0xad: {  	s6 =	sshra.s32 s7, $0x2;
	s7 =	sadd.s32 $0x4, s7;
	[smem:s8+$0x810] =	sst s9  }
0xae: {  	s7 =	sld [smem:s6+$0x10];
	_ =	sdelay $0x3  }
0xaf: {  	s8 =	sld [smem:s7+$0x810];
	_ =	sdelay $0x3  }
0xb0: {  	[smem:s6+$0x410] =	sst s8;
	s31 =	sadd.s32 $0x1, s8  }
0xb1: {  	s9 =	simm.s32 $0x4;
	s6 =	simm.s32 $0x0;
	[smem:s7+$0x810] =	sst s31  }
0xb2: {  	s8 =	simm.s32 $0x1;
	s7 =	simm.s32 $0x0;
	[smem:$0x890] =	sst s6  }
.LBB1_6:
0xb3: {  	p0 =	sne.s32 s9, $0xFC;
	s10 =	sld [smem:s7+$0x810];
	_ =	sdelay $0x3  }
0xb4: {  	s10 =	sadd.s32 $0x3F, s10  }
0xb5: {  	s11 =	sand.u32 $0x3F, s10  }
0xb6: {  	s12 =	sshra.s32 s10, $0x1F;
	p1 =	slt.s32 s10, $0x1;
	p2 =	sne.s32 s11, $0x0  }
0xb7: {  	s11 =	sshrl.u32 s12, $0x1A;
	p1 =	por !p1, !p2  }
0xb8: {  	s10 =	sadd.s32 s11, s10;
	s11 =	simm.s32 $0x1;
	p1 =	por !p1, !p1  }
0xb9: {  	s10 =	sshrl.u32 s10, $0x6;
	s11 =	simm.s32 @!p1 $0x0  }
.Ltmp3:
0xba: {  	s10 =	ssub.s32 s10, s11;
	(pc) =	sbr.rel @p0 .LBB1_6-.Ltmp3, $3  }
0xbb: {  	s10 =	sshll.u32 s10, $0x6  }
0xbc: {  	s6 =	sadd.s32 s6, s10  }
0xbd: {  	[smem:s7+$0x891] =	sst s6;
	s7 =	sshra.s32 s9, $0x2;
	s9 =	sadd.s32 $0x4, s9  }
0xbe: {  	s9 =	sld [smem:s7+$0x810];
	_ =	sdelay $0x3  }
0xbf: {  	s9 =	sadd.s32 $0x3F, s9  }
0xc0: {  	s10 =	sand.u32 $0x3F, s9  }
0xc1: {  	s11 =	sshra.s32 s9, $0x1F;
	p0 =	slt.s32 s9, $0x1;
	p1 =	sne.s32 s10, $0x0  }
0xc2: {  	s31 =	sshrl.u32 s11, $0x1A;
	p0 =	por !p0, !p1  }
0xc3: {  	s9 =	sadd.s32 s31, s9;
	p0 =	por !p0, !p0  }
0xc4: {  	s9 =	sshrl.u32 s9, $0x6;
	s8 =	simm.s32 @!p0 $0x0  }
0xc5: {  	s8 =	ssub.s32 s9, s8  }
0xc6: {  	s8 =	sshll.u32 s8, $0x6  }
0xc7: {  	s6 =	sadd.s32 s6, s8  }
0xc8: {  	[smem:s7+$0x891] =	sst s6;
	s6 =	simm.s32 $0x0  }
0xc9: {  	[smem:$0x990] =	sst s6  }
0xca: {  	s7 =	sld [smem:$0x810];
	_ =	sdelay $0x2  }
0xcb: {  	s10 =	simm.s32 $0x0;
	s9 =	simm.s32 $0x811  }
0xcc: {  	s8 =	simm.s32 $0x1;
	p0 =	slt.s32 s7, $0x1;
	s7 =	simm.s32 $0x0  }
.LBB1_8:
0xcd: {  	s11 =	smov.u32 s10  }
0xce: {  	s10 =	smov.u32 s7;
	[smem:$0x990] =	sst @!p0 s7  }
0xcf: {  	s10 =	smov.u32 @p0 s11;
	s7 =	smov.u32 s8;
	s8 =	sadd.s32 $0x1, s8  }
0xd0: {  	s11 =	sld [smem:s9+$0x0];
	p1 =	sne.s32 s8, $0x40  }
.Ltmp4:
0xd1: {  	(pc) =	sbr.rel @p1 .LBB1_8-.Ltmp4, $2  }
0xd2: {  	_ =	sdelay $0x1  }
0xd3: {  	s9 =	sadd.s32 $0x1, s9;
	p0 =	slt.s32 s11, $0x1  }
0xd4: {  	[smem:$0x990] =	sst @!p0 s7;
	s7 =	smov.u32 @p0 s10  }
.LBB1_10:
0xd5: {  	p0 =	sne.s32 s6, $0x13C  }
.Ltmp5:
0xd6: {  	_ = 	snop;
	(pc) =	sbr.rel @p0 .LBB1_10-.Ltmp5, $3  }
0xd7: {  	_ = 	snop  }
0xd8: {  	s8 =	sshra.s32 s6, $0x2  }
0xd9: {  	s6 =	sadd.s32 $0x4, s6;
	[smem:s8+$0x910] =	sst s7  }
0xda: {  	s6 =	simm.s32 $0x1;
	s7 =	simm.s32 $0x0;
	s8 =	simm.s32 $0x4  }
.LBB1_12:
0xdb: {  	p0 =	sne.s32 s8, $0xFFC;
	s9 =	sld [smem:s7+$0x10];
	_ =	sdelay $0x2  }
0xdc: {  	s10 =	sld [smem:s7+$0x410]  }
0xdd: {  	s11 =	sld [smem:s9+$0x890];
	_ =	sdelay $0x3  }
0xde: {  	s10 =	sadd.s32 s11, s10  }
0xdf: {  	s11 =	sand.u32 $0x3F, s10  }
0xe0: {  	s12 =	sshra.s32 s10, $0x1F;
	p1 =	slt.s32 s10, $0x1;
	p2 =	sne.s32 s11, $0x0  }
0xe1: {  	s11 =	sshrl.u32 s12, $0x1A;
	s12 =	simm.s32 $0x1;
	p1 =	por !p1, !p2  }
.Ltmp6:
0xe2: {  	s11 =	sadd.s32 s11, s10;
	p1 =	por !p1, !p1;
	(pc) =	sbr.rel @p0 .LBB1_12-.Ltmp6, $3  }
0xe3: {  	s11 =	sshra.s32 s11, $0x6;
	s12 =	simm.s32 @!p1 $0x0  }
0xe4: {  	[smem:s7+$0x410] =	sst s10;
	s10 =	ssub.s32 s11, s12  }
0xe5: {  	s7 =	sshra.s32 s8, $0x2;
	s8 =	sadd.s32 $0x4, s8;
	[smem:s10+$0x910] =	sst s9  }
0xe6: {  	s8 =	sld [smem:s7+$0x10];
	_ =	sdelay $0x2  }
0xe7: {  	s9 =	sld [smem:s7+$0x410]  }
0xe8: {  	s10 =	sld [smem:s8+$0x890];
	_ =	sdelay $0x3  }
0xe9: {  	s9 =	sadd.s32 s10, s9  }
0xea: {  	s10 =	sand.u32 $0x3F, s9  }
0xeb: {  	s11 =	sshra.s32 s9, $0x1F;
	p0 =	slt.s32 s9, $0x1;
	p1 =	sne.s32 s10, $0x0  }
0xec: {  	s23 =	sshrl.u32 s11, $0x1A;
	p0 =	por !p0, !p1  }
0xed: {  	s10 =	sadd.s32 s23, s9;
	p0 =	por !p0, !p0  }
0xee: {  	s10 =	sshra.s32 s10, $0x6;
	s6 =	simm.s32 @!p0 $0x0  }
0xef: {  	[smem:s7+$0x410] =	sst s9;
	s6 =	ssub.s32 s10, s6  }
0xf0: {  	[smem:s6+$0x910] =	sst s8  }
0xf1: {  	s6 =	sld [smem:$0x8D0];
	_ =	sdelay $0x3  }
0xf2: {  	s24 =	sand.u32 $0x3F, s6  }
0xf3: {  	s25 =	sshra.s32 s6, $0x1F;
	p5 =	slt.s32 s6, $0x1;
	p6 =	sne.s32 s24, $0x0  }
0xf4: {  	s26 =	sshrl.u32 s25, $0x1A;
	p0 =	por !p5, !p6  }
0xf5: {  	s7 =	simm.s32 $0x1;
	s6 =	sadd.s32 s26, s6;
	p0 =	por !p0, !p0  }
0xf6: {  	s6 =	sshra.s32 s6, $0x6;
	s7 =	simm.s32 @!p0 $0x0  }
0xf7: {  	s6 =	ssub.s32 s6, s7  }
0xf8: {  	s28 =	simm.s32 $0x410;
	s29 =	simm.s32 $0x9;
	[smem:$0x990] =	sst s6  }
0xf9: {  	[hbm:s5], [sflag:s2] =	dma.local [smem:s28], $0x80  }
0xfa: {  	_ =	swait.ge [sflag:s29], $0x80  }
0xfb: {  	[sflag:s29] =	ssyncset.done $0x0  }
0xfc: {  	[sflag:s29] =	ssyncadd.s32 $0xFFFFFF80  }
0xfd: {  	s30 =	simm.s32 $0x910  }
0xfe: {  	[hbm:s4], [sflag:s2] =	dma.local [smem:s30], $0x10  }
0xff: {  	_ =	swait.ge [sflag:s29], $0x10  }
0x100: {  	[sflag:s29] =	ssyncset.done $0x0  }
0x101: {  	[sflag:s29] =	ssyncadd.s32 $0xFFFFFFF0  }
0x102: {  	s31 =	simm.s32 $0x990  }
0x103: {  	[hbm:s3], [sflag:s2] =	dma.local [smem:s31], $0x10  }
0x104: {  	_ =	swait.ge [sflag:s29], $0x10  }
0x105: {  	[sflag:s29] =	ssyncset.done $0x0  }
0x106: {  	[sflag:s29] =	ssyncadd.s32 $0xFFFFFFF0  }
.LBB1_14:
0x107: {  	_ =	strace $0x90000046  }
0x108: {  	_ =	sfence  }
0x109: {  	s2 =	sld [smem:$0x0];
	_ =	sdelay $0x2  }
0x10a: {  	s3 =	sshll.u32 s1, $0xD;
	s31 =	sshrl.u32 s1, $0x2  }
0x10b: {  	s3 =	sand.u32 $0x4000, s3;
	s1 =	sadd.s32 s31, s2  }
0x10c: {  	s0 =	sor.u32 s3, s0;
	s1 =	sshll.u32 s1, $0x11  }
0x10d: {  	s0 =	sor.u32 s1, s0  }
0x10e: {  	s0 =	sadd.s32 $0x8F2B, s0;
	(pc) =	sbr.abs _section_cstart, $3  }
0x10f: {  	[sflag:s0] =	ssyncadd.remote.s32 $0x1  }
0x110: {  	_ =	strace $0x9FFFFFFF  }
0x111: {  	(tm) =	ssettm $0x7FFFFFFF  }

</sc_bundles>
